<compile_context>
chip_gen: v7x
topology: tpu7x:2x2x1
jax: 0.10.2.dev20260603
libtpu: 0.0.44.dev20260713+nightly
codegen_flags: <defaults>
</compile_context>

<pallas_src>
import functools

import jax
import jax.numpy as jnp
from jax import lax
from jax.experimental import pallas as pl
from jax.experimental.pallas import tpu as pltpu
from jax.experimental.pallas import tpu_sc as plsc

_BQ = 512
_NW = 32
_DL = 32
_L = 16


def _knn_body(x_ref, rt_ref, idx_ref, w_ref, r2_ref):
    x = x_ref[...]
    @pl.when(pl.program_id(0) == 0)
    def _():
        rt = rt_ref[...]
        r2_ref[...] = ((rt[0:1, :] * rt[0:1, :] + rt[2:3, :] * rt[2:3, :])
                       + rt[1:2, :] * rt[1:2, :]) + rt[3:4, :] * rt[3:4, :]

    q2 = (x[:, 0:1] * x[:, 0:1] + x[:, 2:3] * x[:, 2:3]) + x[:, 1:2] * x[:, 1:2]
    r2 = r2_ref[...]
    mm = jnp.dot(x, rt_ref[...], preferred_element_type=jnp.float32)
    d = q2 + r2 - 2.0 * mm
    bq, kp = d.shape
    iota = lax.broadcasted_iota(jnp.int32, (1, kp), 1).astype(jnp.float32)

    mins, args = [], []
    dcur = d
    for j in range(3):
        m = jnp.min(dcur, axis=1, keepdims=True)
        am = jnp.min(jnp.where(dcur == m, iota, jnp.float32(2**30)),
                     axis=1, keepdims=True)
        mins.append(m)
        args.append(am)
        if j < 2:
            dcur = jnp.where(iota == am, jnp.float32(1e30), dcur)

    dist = [jnp.sqrt(jnp.maximum(m, jnp.float32(1e-12))) for m in mins]
    d_sum = (dist[0] + dist[2]) + dist[1]
    dval = [d_sum - dj / d_sum for dj in dist]
    s = (dval[0] + dval[2]) + dval[1]

    idx_ref[...] = jnp.concatenate(args, axis=1).astype(jnp.int32)
    w_ref[...] = jnp.concatenate([dv / s for dv in dval], axis=1)


def _gather_blend_body(idx_hbm, w_hbm, table_hbm, out_hbm,
                       idx_v, w_v, rows_v, out_v, sem):
    n3 = idx_v.shape[0]
    nq = n3 // 3
    wid = lax.axis_index("s") * 2 + lax.axis_index("c")
    base = wid * n3
    pltpu.sync_copy(idx_hbm.at[pl.ds(base, n3)], idx_v)
    pltpu.sync_copy(w_hbm.at[pl.ds(base, n3)], w_v)
    pltpu.async_copy(table_hbm.at[idx_v], rows_v, sem).wait()

    lane = lax.broadcasted_iota(jnp.int32, (_L,), 0)

    def body(i, carry):
        b3 = 3 * i
        w0 = plsc.load_gather(w_v, [jnp.broadcast_to(b3, (_L,))])
        w1 = plsc.load_gather(w_v, [jnp.broadcast_to(b3 + 1, (_L,))])
        w2 = plsc.load_gather(w_v, [jnp.broadcast_to(b3 + 2, (_L,))])
        for h in range(_DL // _L):
            col = lane + h * _L
            r0 = plsc.load_gather(rows_v, [jnp.broadcast_to(b3, (_L,)), col])
            r1 = plsc.load_gather(rows_v, [jnp.broadcast_to(b3 + 1, (_L,)), col])
            r2 = plsc.load_gather(rows_v, [jnp.broadcast_to(b3 + 2, (_L,)), col])
            out_v[pl.ds(_DL * i + h * _L, _L)] = (w0 * r0 + w2 * r2) + w1 * r1
        return carry

    lax.fori_loop(0, nq, body, 0)
    pltpu.sync_copy(out_v, out_hbm.at[pl.ds(wid * nq * _DL, nq * _DL)])


@jax.jit
def _run(scan_vertices, ref_vertices, smpl_lbs):
    q, _ = scan_vertices.shape
    k, nj = smpl_lbs.shape
    kp = ((k + 127) // 128) * 128
    qp = ((q + _BQ - 1) // _BQ) * _BQ
    q3 = qp * 3

    x = jnp.zeros((qp, 8), jnp.float32).at[:q, :3].set(scan_vertices)
    rt = (jnp.zeros((8, kp), jnp.float32)
          .at[:3, :k].set(ref_vertices.T)
          .at[3, k:].set(jnp.float32(1e15)))

    idx, w = pl.pallas_call(
        _knn_body,
        grid=(qp // _BQ,),
        in_specs=[
            pl.BlockSpec((_BQ, 8), lambda i: (i, 0)),
            pl.BlockSpec((8, kp), lambda i: (0, 0)),
        ],
        out_specs=[
            pl.BlockSpec((_BQ, 3), lambda i: (i, 0)),
            pl.BlockSpec((_BQ, 3), lambda i: (i, 0)),
        ],
        out_shape=[
            jax.ShapeDtypeStruct((qp, 3), jnp.int32),
            jax.ShapeDtypeStruct((qp, 3), jnp.float32),
        ],
        scratch_shapes=[pltpu.VMEM((1, kp), jnp.float32)],
        compiler_params=pltpu.CompilerParams(
            dimension_semantics=("arbitrary",),
        ),
    )(x, rt)

    table = jnp.zeros((k, _DL), jnp.float32).at[:, :nj].set(smpl_lbs)
    idx_flat = idx.reshape(q3)
    w_flat = w.reshape(q3)
    n_per_w = q3 // _NW
    nq_w = n_per_w // 3

    gather_blend = functools.partial(
        pl.kernel,
        out_type=jax.ShapeDtypeStruct((qp * _DL,), jnp.float32),
        mesh=plsc.VectorSubcoreMesh(core_axis_name="c", subcore_axis_name="s"),
        scratch_types=[
            pltpu.VMEM((n_per_w,), jnp.int32),
            pltpu.VMEM((n_per_w,), jnp.float32),
            pltpu.VMEM((n_per_w, _DL), jnp.float32),
            pltpu.VMEM((nq_w * _DL,), jnp.float32),
            pltpu.SemaphoreType.DMA,
        ],
        compiler_params=pltpu.CompilerParams(use_tc_tiling_on_sc=False,
                                             needs_layout_passes=False),
    )(_gather_blend_body)
    out = gather_blend(idx_flat, w_flat, table).reshape(qp, _DL)
    return out[:q, :nj]


def kernel(scan_vertices, ref_vertices, smpl_lbs):
    return _run(scan_vertices, ref_vertices, smpl_lbs)

# --- scband reference (transcript-rebuilt; emitter-appended) ---
"""Pipeline reference for scband-human-rigger-54133767798916 (READ-ONLY COPY).

The authoritative reference and input builder live on the scoring server;
editing this copy changes nothing except your own understanding.
"""

import jax, jax.numpy as jnp
import numpy as np

Q = 30000
K = 6890
NJ = 24

def setup_inputs(seed: int = 0) -> dict:
    key = jax.random.key(seed)
    k1, k2, k3 = jax.random.split(key, 3)
    return {
        "scan_vertices": jax.random.normal(k1, (Q, 3), dtype=jnp.float32),
        "ref_vertices": jax.random.normal(k2, (K, 3), dtype=jnp.float32),
        "smpl_lbs": jax.random.uniform(k3, (K, NJ), dtype=jnp.float32),
    }

def reference(scan_vertices, ref_vertices, smpl_lbs):
    # Faithful jax translation of HumanRigger.auto_rig (interpolate=True branch).
    # sklearn KDTree(ref_vertices).query(scan_vertices, k=3, return_distance=True)
    # is replaced by brute-force euclidean kNN (same math, exact neighbors).
    q2 = jnp.sum(scan_vertices * scan_vertices, axis=1, keepdims=True)   # [Q,1]
    r2 = jnp.sum(ref_vertices * ref_vertices, axis=1)                    # [K]
    d2 = q2 + r2[None, :] - 2.0 * (scan_vertices @ ref_vertices.T)       # [Q,K]
    neg_vals, idx = jax.lax.top_k(-d2, 3)                                 # 3 nearest
    dist = jnp.sqrt(jnp.maximum(-neg_vals, 1e-12))                        # euclidean, [Q,3]
    # d_sum = [sum(i) for i in dist]
    d_sum = jnp.sum(dist, axis=1, keepdims=True)                          # [Q,1]
    # d_val = d_sum[k] - dist[k,:] / d_sum[k]   (faithful to original formula)
    d_val = d_sum - dist / d_sum                                          # [Q,3]
    # renormalize: d_val[k,:] / sum(d_val[k,:])
    d_val = d_val / jnp.sum(d_val, axis=1, keepdims=True)                 # [Q,3]
    # new_lbs[k,:] = sum_j smpl_lbs[idx[k,j],:] * d_val[k,j]
    nn_lbs = jnp.take(smpl_lbs, idx, axis=0)                              # [Q,3,24] gather
    new_lbs = jnp.sum(nn_lbs * d_val[:, :, None], axis=1)                 # [Q,24]
    return new_lbs

if __name__ == "__main__":
    import jax
    _d = setup_inputs()
    print(jax.jit(kernel)(*tuple(_d.values())))

</pallas_src>

<mosaic_0001>
#map = affine_map<(d0, d1) -> (0)>
#map1 = affine_map<(d0, d1) -> (0, 0)>
module attributes {stable_mosaic.version = 14 : i64} {
  func.func @_gather_blend_body(%arg0: i32, %arg1: i32, %arg2: memref<90624xi32, #tpu.memory_space<hbm>>, %arg3: memref<90624xf32, #tpu.memory_space<hbm>>, %arg4: memref<6890x32xf32, #tpu.memory_space<hbm>>, %arg5: memref<966656xf32, #tpu.memory_space<hbm>>, %arg6: memref<2832xi32, #tpu.memory_space<vmem>>, %arg7: memref<2832xf32, #tpu.memory_space<vmem>>, %arg8: memref<2832x32xf32, #tpu.memory_space<vmem>>, %arg9: memref<30208xf32, #tpu.memory_space<vmem>>, %arg10: memref<!tpu.dma_semaphore, #tpu.memory_space<semaphore_mem>>) attributes {dimension_semantics = [#tpu.dimension_semantics<core_parallel>, #tpu.dimension_semantics<subcore_parallel>], iteration_bounds = array<i64: 2, 16>, scalar_prefetch = 0 : i64, scratch_operands = 5 : i64, tpu.core_type = #tpu.core_type<sc_vector_subcore>, window_params = [{transform_indices = #map}, {transform_indices = #map}, {transform_indices = #map1}, {transform_indices = #map}]} {
    %mul3A = arith.constant 2 : i32
    %mul3A_0 = arith.muli %arg1, %mul3A : i32
    %add3A = arith.addi %mul3A_0, %arg0 : i32
    %mul3A_1 = arith.constant 2832 : i32
    %mul3A_2 = arith.muli %add3A, %mul3A_1 : i32
    "tpu.region"() ({
      %run_scoped3A = tpu.sem_alloc : memref<!tpu.dma_semaphore, #tpu.memory_space<semaphore_mem>>
      %dma_start3A_16 = tpu.memref_slice %arg2[%mul3A_2] : memref<90624xi32, #tpu.memory_space<hbm>> -> memref<2832xi32, #tpu.memory_space<hbm>>
      %dma_start3A_17 = tpu.memref_slice %arg2[%mul3A_2] : memref<90624xi32, #tpu.memory_space<hbm>> -> memref<2832xi32, #tpu.memory_space<hbm>>
      tpu.enqueue_dma source(%dma_start3A_17 : memref<2832xi32, #tpu.memory_space<hbm>>) target(%arg6 : memref<2832xi32, #tpu.memory_space<vmem>>) target_semaphore(%run_scoped3A : memref<!tpu.dma_semaphore, #tpu.memory_space<semaphore_mem>>)
      %dma_wait3A_18 = tpu.memref_slice %arg2[%mul3A_2] : memref<90624xi32, #tpu.memory_space<hbm>> -> memref<2832xi32, #tpu.memory_space<hbm>>
      %dma_wait3A_19 = tpu.memref_slice %arg2[%mul3A_2] : memref<90624xi32, #tpu.memory_space<hbm>> -> memref<2832xi32, #tpu.memory_space<hbm>>
      tpu.wait_dma2 semaphore(%run_scoped3A : memref<!tpu.dma_semaphore, #tpu.memory_space<semaphore_mem>>) src(%dma_wait3A_19 : memref<2832xi32, #tpu.memory_space<hbm>>) dst(%arg6 : memref<2832xi32, #tpu.memory_space<vmem>>)
      tpu.yield
    }) : () -> ()
    "tpu.region"() ({
      %run_scoped3A = tpu.sem_alloc : memref<!tpu.dma_semaphore, #tpu.memory_space<semaphore_mem>>
      %dma_start3A_16 = tpu.memref_slice %arg3[%mul3A_2] : memref<90624xf32, #tpu.memory_space<hbm>> -> memref<2832xf32, #tpu.memory_space<hbm>>
      %dma_start3A_17 = tpu.memref_slice %arg3[%mul3A_2] : memref<90624xf32, #tpu.memory_space<hbm>> -> memref<2832xf32, #tpu.memory_space<hbm>>
      tpu.enqueue_dma source(%dma_start3A_17 : memref<2832xf32, #tpu.memory_space<hbm>>) target(%arg7 : memref<2832xf32, #tpu.memory_space<vmem>>) target_semaphore(%run_scoped3A : memref<!tpu.dma_semaphore, #tpu.memory_space<semaphore_mem>>)
      %dma_wait3A_18 = tpu.memref_slice %arg3[%mul3A_2] : memref<90624xf32, #tpu.memory_space<hbm>> -> memref<2832xf32, #tpu.memory_space<hbm>>
      %dma_wait3A_19 = tpu.memref_slice %arg3[%mul3A_2] : memref<90624xf32, #tpu.memory_space<hbm>> -> memref<2832xf32, #tpu.memory_space<hbm>>
      tpu.wait_dma2 semaphore(%run_scoped3A : memref<!tpu.dma_semaphore, #tpu.memory_space<semaphore_mem>>) src(%dma_wait3A_19 : memref<2832xf32, #tpu.memory_space<hbm>>) dst(%arg7 : memref<2832xf32, #tpu.memory_space<vmem>>)
      tpu.yield
    }) : () -> ()
    %dma_start3A = arith.constant 0 : i32
    %dma_start3A_3 = arith.constant 0 : i32
    %dma_start3A_4 = tpu.memref_slice %arg4[%dma_start3A, %dma_start3A_3] : memref<6890x32xf32, #tpu.memory_space<hbm>> -> memref<6890x32xf32, #tpu.memory_space<hbm>>
    tpu.enqueue_indirect_dma source(%dma_start3A_4 : memref<6890x32xf32, #tpu.memory_space<hbm>>) target(%arg8 : memref<2832x32xf32, #tpu.memory_space<vmem>>) offsets(%arg6 : memref<2832xi32, #tpu.memory_space<vmem>>) semaphore(%arg10 : memref<!tpu.dma_semaphore, #tpu.memory_space<semaphore_mem>>)
    %dma_wait3A = arith.constant 0 : i32
    %dma_wait3A_5 = arith.constant 0 : i32
    %dma_wait3A_6 = tpu.memref_slice %arg4[%dma_wait3A, %dma_wait3A_5] : memref<6890x32xf32, #tpu.memory_space<hbm>> -> memref<6890x32xf32, #tpu.memory_space<hbm>>
    tpu.wait_indirect_dma semaphore(%arg10 : memref<!tpu.dma_semaphore, #tpu.memory_space<semaphore_mem>>) src(%dma_wait3A_6 : memref<6890x32xf32, #tpu.memory_space<hbm>>) dst(%arg8 : memref<2832x32xf32, #tpu.memory_space<vmem>>)
    %iota3A = tpu.iota {dimensions = array<i32: 0>} : vector<16xi32>
    %scan3A = arith.constant 0 : i32
    %scan3A_7 = arith.constant 0 : i32
    %scan3A_8 = arith.constant 944 : i32
    %scan3A_9 = arith.addi %scan3A_7, %scan3A_8 : i32
    %scan3A_10 = arith.constant 1 : i32
    scf.for %scan3A_16 = %scan3A_7 to %scan3A_9 step %scan3A_10  : i32 {
      %mul3A_17 = arith.constant 3 : i32
      %mul3A_18 = arith.muli %mul3A_17, %scan3A_16 : i32
      %broadcast_in_dim3A = vector.broadcast %mul3A_18 : i32 to vector<16xi32>
      %gather3A = tpu.vector_load_idx %arg7[%broadcast_in_dim3A] : memref<2832xf32, #tpu.memory_space<vmem>>[vector<16xi32>], vector<16xf32>,
      %add3A_19 = arith.constant 1 : i32
      %add3A_20 = arith.addi %mul3A_18, %add3A_19 : i32
      %broadcast_in_dim3A_21 = vector.broadcast %add3A_20 : i32 to vector<16xi32>
      %gather3A_22 = tpu.vector_load_idx %arg7[%broadcast_in_dim3A_21] : memref<2832xf32, #tpu.memory_space<vmem>>[vector<16xi32>], vector<16xf32>,
      %add3A_23 = arith.constant 2 : i32
      %add3A_24 = arith.addi %mul3A_18, %add3A_23 : i32
      %broadcast_in_dim3A_25 = vector.broadcast %add3A_24 : i32 to vector<16xi32>
      %gather3A_26 = tpu.vector_load_idx %arg7[%broadcast_in_dim3A_25] : memref<2832xf32, #tpu.memory_space<vmem>>[vector<16xi32>], vector<16xf32>,
      %add3A_27 = arith.constant 0 : i32
      %add3A_28 = vector.broadcast %add3A_27 : i32 to vector<16xi32>
      %add3A_29 = arith.addi %iota3A, %add3A_28 : vector<16xi32>
      %broadcast_in_dim3A_30 = vector.broadcast %mul3A_18 : i32 to vector<16xi32>
      %gather3A_31 = tpu.vector_load_idx %arg8[%broadcast_in_dim3A_30, %add3A_29] : memref<2832x32xf32, #tpu.memory_space<vmem>>[vector<16xi32>, vector<16xi32>], vector<16xf32>,
      %add3A_32 = arith.constant 1 : i32
      %add3A_33 = arith.addi %mul3A_18, %add3A_32 : i32
      %broadcast_in_dim3A_34 = vector.broadcast %add3A_33 : i32 to vector<16xi32>
      %gather3A_35 = tpu.vector_load_idx %arg8[%broadcast_in_dim3A_34, %add3A_29] : memref<2832x32xf32, #tpu.memory_space<vmem>>[vector<16xi32>, vector<16xi32>], vector<16xf32>,
      %add3A_36 = arith.constant 2 : i32
      %add3A_37 = arith.addi %mul3A_18, %add3A_36 : i32
      %broadcast_in_dim3A_38 = vector.broadcast %add3A_37 : i32 to vector<16xi32>
      %gather3A_39 = tpu.vector_load_idx %arg8[%broadcast_in_dim3A_38, %add3A_29] : memref<2832x32xf32, #tpu.memory_space<vmem>>[vector<16xi32>, vector<16xi32>], vector<16xf32>,
      %mul3A_40 = arith.mulf %gather3A, %gather3A_31 : vector<16xf32>
      %mul3A_41 = arith.mulf %gather3A_26, %gather3A_39 : vector<16xf32>
      %add3A_42 = arith.addf %mul3A_40, %mul3A_41 : vector<16xf32>
      %mul3A_43 = arith.mulf %gather3A_22, %gather3A_35 : vector<16xf32>
      %add3A_44 = arith.addf %add3A_42, %mul3A_43 : vector<16xf32>
      %mul3A_45 = arith.constant 32 : i32
      %mul3A_46 = arith.muli %mul3A_45, %scan3A_16 : i32
      %add3A_47 = arith.constant 0 : i32
      %add3A_48 = arith.addi %mul3A_46, %add3A_47 : i32
      %swap3A = arith.index_cast %add3A_48 : i32 to index
      %swap3A_49 = tpu.vector_load %arg9[%swap3A] {strides = array<i32>} : memref<30208xf32, #tpu.memory_space<vmem>>, vector<16xf32>,
      tpu.vector_store %arg9[%swap3A], %add3A_44 {strides = array<i32>} : memref<30208xf32, #tpu.memory_space<vmem>>, vector<16xf32>,
      %add3A_50 = arith.constant 16 : i32
      %add3A_51 = vector.broadcast %add3A_50 : i32 to vector<16xi32>
      %add3A_52 = arith.addi %iota3A, %add3A_51 : vector<16xi32>
      %broadcast_in_dim3A_53 = vector.broadcast %mul3A_18 : i32 to vector<16xi32>
      %gather3A_54 = tpu.vector_load_idx %arg8[%broadcast_in_dim3A_53, %add3A_52] : memref<2832x32xf32, #tpu.memory_space<vmem>>[vector<16xi32>, vector<16xi32>], vector<16xf32>,
      %add3A_55 = arith.constant 1 : i32
      %add3A_56 = arith.addi %mul3A_18, %add3A_55 : i32
      %broadcast_in_dim3A_57 = vector.broadcast %add3A_56 : i32 to vector<16xi32>
      %gather3A_58 = tpu.vector_load_idx %arg8[%broadcast_in_dim3A_57, %add3A_52] : memref<2832x32xf32, #tpu.memory_space<vmem>>[vector<16xi32>, vector<16xi32>], vector<16xf32>,
      %add3A_59 = arith.constant 2 : i32
      %add3A_60 = arith.addi %mul3A_18, %add3A_59 : i32
      %broadcast_in_dim3A_61 = vector.broadcast %add3A_60 : i32 to vector<16xi32>
      %gather3A_62 = tpu.vector_load_idx %arg8[%broadcast_in_dim3A_61, %add3A_52] : memref<2832x32xf32, #tpu.memory_space<vmem>>[vector<16xi32>, vector<16xi32>], vector<16xf32>,
      %mul3A_63 = arith.mulf %gather3A, %gather3A_54 : vector<16xf32>
      %mul3A_64 = arith.mulf %gather3A_26, %gather3A_62 : vector<16xf32>
      %add3A_65 = arith.addf %mul3A_63, %mul3A_64 : vector<16xf32>
      %mul3A_66 = arith.mulf %gather3A_22, %gather3A_58 : vector<16xf32>
      %add3A_67 = arith.addf %add3A_65, %mul3A_66 : vector<16xf32>
      %mul3A_68 = arith.constant 32 : i32
      %mul3A_69 = arith.muli %mul3A_68, %scan3A_16 : i32
      %add3A_70 = arith.constant 16 : i32
      %add3A_71 = arith.addi %mul3A_69, %add3A_70 : i32
      %swap3A_72 = arith.index_cast %add3A_71 : i32 to index
      %swap3A_73 = tpu.vector_load %arg9[%swap3A_72] {strides = array<i32>} : memref<30208xf32, #tpu.memory_space<vmem>>, vector<16xf32>,
      tpu.vector_store %arg9[%swap3A_72], %add3A_67 {strides = array<i32>} : memref<30208xf32, #tpu.memory_space<vmem>>, vector<16xf32>,
    }
    %scan3A_11 = arith.constant 944 : i32
    %mul3A_12 = arith.constant 944 : i32
    %mul3A_13 = arith.muli %add3A, %mul3A_12 : i32
    %mul3A_14 = arith.constant 32 : i32
    %mul3A_15 = arith.muli %mul3A_13, %mul3A_14 : i32
    "tpu.region"() ({
      %run_scoped3A = tpu.sem_alloc : memref<!tpu.dma_semaphore, #tpu.memory_space<semaphore_mem>>
      %dma_start3A_16 = tpu.memref_slice %arg5[%mul3A_15] : memref<966656xf32, #tpu.memory_space<hbm>> -> memref<30208xf32, #tpu.memory_space<hbm>>
      %dma_start3A_17 = tpu.memref_slice %arg5[%mul3A_15] : memref<966656xf32, #tpu.memory_space<hbm>> -> memref<30208xf32, #tpu.memory_space<hbm>>
      tpu.enqueue_dma source(%arg9 : memref<30208xf32, #tpu.memory_space<vmem>>) target(%dma_start3A_17 : memref<30208xf32, #tpu.memory_space<hbm>>) target_semaphore(%run_scoped3A : memref<!tpu.dma_semaphore, #tpu.memory_space<semaphore_mem>>)
      %dma_wait3A_18 = tpu.memref_slice %arg5[%mul3A_15] : memref<966656xf32, #tpu.memory_space<hbm>> -> memref<30208xf32, #tpu.memory_space<hbm>>
      %dma_wait3A_19 = tpu.memref_slice %arg5[%mul3A_15] : memref<966656xf32, #tpu.memory_space<hbm>> -> memref<30208xf32, #tpu.memory_space<hbm>>
      tpu.wait_dma2 semaphore(%run_scoped3A : memref<!tpu.dma_semaphore, #tpu.memory_space<semaphore_mem>>) src(%arg9 : memref<30208xf32, #tpu.memory_space<vmem>>) dst(%dma_wait3A_19 : memref<30208xf32, #tpu.memory_space<hbm>>)
      tpu.yield
    }) : () -> ()
    return
  }
}

module attributes {stable_mosaic.version = 14 : i64} {
  func.func @_knn_body(%arg0: i32, %arg1: memref<512x8xf32, #tpu.memory_space<vmem>>, %arg2: memref<8x6912xf32, #tpu.memory_space<vmem>>, %arg3: memref<512x3xi32, #tpu.memory_space<vmem>>, %arg4: memref<512x3xf32, #tpu.memory_space<vmem>>, %arg5: memref<1x6912xf32, #tpu.memory_space<vmem>>) attributes {dimension_semantics = [#tpu.dimension_semantics<arbitrary>], iteration_bounds = array<i64: 59>, scalar_prefetch = 0 : i64, scratch_operands = 1 : i64, tpu.core_type = #tpu.core_type<tc>, window_params = [{transform_indices = @transform_0, window_bounds = array<i64: 512, 8>}, {pipeline_mode = #tpu.pipeline_mode<synchronous>, transform_indices = @transform_1, window_bounds = array<i64: 8, 6912>}, {transform_indices = @transform_2, window_bounds = array<i64: 512, 3>}, {transform_indices = @transform_3, window_bounds = array<i64: 512, 3>}]} {
    %get3A = arith.constant 0 : index
    %get3A_0 = arith.constant 0 : index
    %get3A_1 = vector.load %arg1[%get3A, %get3A_0] : memref<512x8xf32, #tpu.memory_space<vmem>>, vector<512x8xf32>
    %eq3A = arith.constant 0 : i32
    %eq3A_2 = arith.cmpi eq, %arg0, %eq3A : i32
    %convert_element_type3A = arith.extui %eq3A_2 : i1 to i32
    %cond3A = arith.constant 0 : i32
    %cond3A_3 = arith.cmpi ne, %convert_element_type3A, %cond3A : i32
    scf.if %cond3A_3 {
      %get3A_102 = arith.constant 0 : index
      %get3A_103 = arith.constant 0 : index
      %get3A_104 = vector.load %arg2[%get3A_102, %get3A_103] : memref<8x6912xf32, #tpu.memory_space<vmem>>, vector<8x6912xf32>
      %slice3A_105 = vector.extract_strided_slice %get3A_104 {offsets = [0, 0], sizes = [1, 6912], strides = [1, 1]} : vector<8x6912xf32> to vector<1x6912xf32>
      %slice3A_106 = vector.extract_strided_slice %get3A_104 {offsets = [0, 0], sizes = [1, 6912], strides = [1, 1]} : vector<8x6912xf32> to vector<1x6912xf32>
      %mul3A_107 = arith.mulf %slice3A_105, %slice3A_106 : vector<1x6912xf32>
      %slice3A_108 = vector.extract_strided_slice %get3A_104 {offsets = [2, 0], sizes = [1, 6912], strides = [1, 1]} : vector<8x6912xf32> to vector<1x6912xf32>
      %slice3A_109 = vector.extract_strided_slice %get3A_104 {offsets = [2, 0], sizes = [1, 6912], strides = [1, 1]} : vector<8x6912xf32> to vector<1x6912xf32>
      %mul3A_110 = arith.mulf %slice3A_108, %slice3A_109 : vector<1x6912xf32>
      %add3A_111 = arith.addf %mul3A_107, %mul3A_110 : vector<1x6912xf32>
      %slice3A_112 = vector.extract_strided_slice %get3A_104 {offsets = [1, 0], sizes = [1, 6912], strides = [1, 1]} : vector<8x6912xf32> to vector<1x6912xf32>
      %slice3A_113 = vector.extract_strided_slice %get3A_104 {offsets = [1, 0], sizes = [1, 6912], strides = [1, 1]} : vector<8x6912xf32> to vector<1x6912xf32>
      %mul3A_114 = arith.mulf %slice3A_112, %slice3A_113 : vector<1x6912xf32>
      %add3A_115 = arith.addf %add3A_111, %mul3A_114 : vector<1x6912xf32>
      %slice3A_116 = vector.extract_strided_slice %get3A_104 {offsets = [3, 0], sizes = [1, 6912], strides = [1, 1]} : vector<8x6912xf32> to vector<1x6912xf32>
      %slice3A_117 = vector.extract_strided_slice %get3A_104 {offsets = [3, 0], sizes = [1, 6912], strides = [1, 1]} : vector<8x6912xf32> to vector<1x6912xf32>
      %mul3A_118 = arith.mulf %slice3A_116, %slice3A_117 : vector<1x6912xf32>
      %add3A_119 = arith.addf %add3A_115, %mul3A_118 : vector<1x6912xf32>
      %swap3A_120 = arith.constant 0 : index
      %swap3A_121 = arith.constant 0 : index
      %swap3A_122 = vector.load %arg5[%swap3A_120, %swap3A_121] : memref<1x6912xf32, #tpu.memory_space<vmem>>, vector<1x6912xf32>
      tpu.vector_store %arg5[%swap3A_120, %swap3A_121], %add3A_119 {strides = array<i32>} : memref<1x6912xf32, #tpu.memory_space<vmem>>, vector<1x6912xf32>,
    } else {
    }
    %slice3A = vector.extract_strided_slice %get3A_1 {offsets = [0, 0], sizes = [512, 1], strides = [1, 1]} : vector<512x8xf32> to vector<512x1xf32>
    %slice3A_4 = vector.extract_strided_slice %get3A_1 {offsets = [0, 0], sizes = [512, 1], strides = [1, 1]} : vector<512x8xf32> to vector<512x1xf32>
    %mul3A = arith.mulf %slice3A, %slice3A_4 : vector<512x1xf32>
    %slice3A_5 = vector.extract_strided_slice %get3A_1 {offsets = [0, 2], sizes = [512, 1], strides = [1, 1]} : vector<512x8xf32> to vector<512x1xf32>
    %slice3A_6 = vector.extract_strided_slice %get3A_1 {offsets = [0, 2], sizes = [512, 1], strides = [1, 1]} : vector<512x8xf32> to vector<512x1xf32>
    %mul3A_7 = arith.mulf %slice3A_5, %slice3A_6 : vector<512x1xf32>
    %add3A = arith.addf %mul3A, %mul3A_7 : vector<512x1xf32>
    %slice3A_8 = vector.extract_strided_slice %get3A_1 {offsets = [0, 1], sizes = [512, 1], strides = [1, 1]} : vector<512x8xf32> to vector<512x1xf32>
    %slice3A_9 = vector.extract_strided_slice %get3A_1 {offsets = [0, 1], sizes = [512, 1], strides = [1, 1]} : vector<512x8xf32> to vector<512x1xf32>
    %mul3A_10 = arith.mulf %slice3A_8, %slice3A_9 : vector<512x1xf32>
    %add3A_11 = arith.addf %add3A, %mul3A_10 : vector<512x1xf32>
    %get3A_12 = arith.constant 0 : index
    %get3A_13 = arith.constant 0 : index
    %get3A_14 = vector.load %arg5[%get3A_12, %get3A_13] : memref<1x6912xf32, #tpu.memory_space<vmem>>, vector<1x6912xf32>
    %get3A_15 = arith.constant 0 : index
    %get3A_16 = arith.constant 0 : index
    %get3A_17 = vector.load %arg2[%get3A_15, %get3A_16] : memref<8x6912xf32, #tpu.memory_space<vmem>>, vector<8x6912xf32>
    %dot_general3A = arith.constant dense<0.000000e+00> : vector<512x6912xf32>
    %dot_general3A_18 = tpu.matmul %get3A_1, %get3A_17, %dot_general3A {dimension_numbers = #tpu.dot_dimension_numbers<[1], [0], [0], [1], [0, 0, 1, 1], [], []>, transpose_lhs_hint = false} : vector<512x8xf32>, vector<8x6912xf32>, vector<512x6912xf32> -> vector<512x6912xf32>
    %add3A_19 = vector.broadcast %add3A_11 : vector<512x1xf32> to vector<512x6912xf32>
    %add3A_20 = vector.broadcast %get3A_14 : vector<1x6912xf32> to vector<512x6912xf32>
    %add3A_21 = arith.addf %add3A_19, %add3A_20 : vector<512x6912xf32>
    %mul3A_22 = arith.constant 2.000000e+00 : f32
    %mul3A_23 = vector.broadcast %mul3A_22 : f32 to vector<512x6912xf32>
    %mul3A_24 = arith.mulf %mul3A_23, %dot_general3A_18 : vector<512x6912xf32>
    %sub3A = arith.subf %add3A_21, %mul3A_24 : vector<512x6912xf32>
    %iota3A = tpu.iota {dimensions = array<i32: 1>} : vector<1x6912xi32>
    %convert_element_type3A_25 = arith.sitofp %iota3A : vector<1x6912xi32> to vector<1x6912xf32>
    %reduce_min3A = arith.constant dense<0x7F800000> : vector<512xf32>
    %reduce_min3A_26 = vector.multi_reduction <minimumf>, %sub3A, %reduce_min3A [1] : vector<512x6912xf32> to vector<512xf32>
    %broadcast_in_dim3A = vector.shape_cast %reduce_min3A_26 : vector<512xf32> to vector<512x1xf32>
    %eq3A_27 = vector.broadcast %broadcast_in_dim3A : vector<512x1xf32> to vector<512x6912xf32>
    %eq3A_28 = arith.cmpf oeq, %sub3A, %eq3A_27 : vector<512x6912xf32>
    %jit3A = arith.constant 1.07374182E+9 : f32
    %broadcast_in_dim3A_29 = vector.shape_cast %convert_element_type3A_25 : vector<1x6912xf32> to vector<1x6912xf32>
    %broadcast_in_dim3A_30 = vector.broadcast %broadcast_in_dim3A_29 : vector<1x6912xf32> to vector<512x6912xf32>
    %broadcast_in_dim3A_31 = vector.broadcast %jit3A : f32 to vector<512x6912xf32>
    %select_n3A = arith.select %eq3A_28, %broadcast_in_dim3A_30, %broadcast_in_dim3A_31 : vector<512x6912xi1>, vector<512x6912xf32>
    %reduce_min3A_32 = arith.constant dense<0x7F800000> : vector<512xf32>
    %reduce_min3A_33 = vector.multi_reduction <minimumf>, %select_n3A, %reduce_min3A_32 [1] : vector<512x6912xf32> to vector<512xf32>
    %broadcast_in_dim3A_34 = vector.shape_cast %reduce_min3A_33 : vector<512xf32> to vector<512x1xf32>
    %eq3A_35 = vector.broadcast %convert_element_type3A_25 : vector<1x6912xf32> to vector<512x6912xf32>
    %eq3A_36 = vector.broadcast %broadcast_in_dim3A_34 : vector<512x1xf32> to vector<512x6912xf32>
    %eq3A_37 = arith.cmpf oeq, %eq3A_35, %eq3A_36 : vector<512x6912xf32>
    %jit3A_38 = arith.constant 1.000000e+30 : f32
    %broadcast_in_dim3A_39 = vector.broadcast %jit3A_38 : f32 to vector<512x6912xf32>
    %select_n3A_40 = arith.select %eq3A_37, %broadcast_in_dim3A_39, %sub3A : vector<512x6912xi1>, vector<512x6912xf32>
    %reduce_min3A_41 = arith.constant dense<0x7F800000> : vector<512xf32>
    %reduce_min3A_42 = vector.multi_reduction <minimumf>, %select_n3A_40, %reduce_min3A_41 [1] : vector<512x6912xf32> to vector<512xf32>
    %broadcast_in_dim3A_43 = vector.shape_cast %reduce_min3A_42 : vector<512xf32> to vector<512x1xf32>
    %eq3A_44 = vector.broadcast %broadcast_in_dim3A_43 : vector<512x1xf32> to vector<512x6912xf32>
    %eq3A_45 = arith.cmpf oeq, %select_n3A_40, %eq3A_44 : vector<512x6912xf32>
    %jit3A_46 = arith.constant 1.07374182E+9 : f32
    %broadcast_in_dim3A_47 = vector.shape_cast %convert_element_type3A_25 : vector<1x6912xf32> to vector<1x6912xf32>
    %broadcast_in_dim3A_48 = vector.broadcast %broadcast_in_dim3A_47 : vector<1x6912xf32> to vector<512x6912xf32>
    %broadcast_in_dim3A_49 = vector.broadcast %jit3A_46 : f32 to vector<512x6912xf32>
    %select_n3A_50 = arith.select %eq3A_45, %broadcast_in_dim3A_48, %broadcast_in_dim3A_49 : vector<512x6912xi1>, vector<512x6912xf32>
    %reduce_min3A_51 = arith.constant dense<0x7F800000> : vector<512xf32>
    %reduce_min3A_52 = vector.multi_reduction <minimumf>, %select_n3A_50, %reduce_min3A_51 [1] : vector<512x6912xf32> to vector<512xf32>
    %broadcast_in_dim3A_53 = vector.shape_cast %reduce_min3A_52 : vector<512xf32> to vector<512x1xf32>
    %eq3A_54 = vector.broadcast %convert_element_type3A_25 : vector<1x6912xf32> to vector<512x6912xf32>
    %eq3A_55 = vector.broadcast %broadcast_in_dim3A_53 : vector<512x1xf32> to vector<512x6912xf32>
    %eq3A_56 = arith.cmpf oeq, %eq3A_54, %eq3A_55 : vector<512x6912xf32>
    %jit3A_57 = arith.constant 1.000000e+30 : f32
    %broadcast_in_dim3A_58 = vector.broadcast %jit3A_57 : f32 to vector<512x6912xf32>
    %select_n3A_59 = arith.select %eq3A_56, %broadcast_in_dim3A_58, %select_n3A_40 : vector<512x6912xi1>, vector<512x6912xf32>
    %reduce_min3A_60 = arith.constant dense<0x7F800000> : vector<512xf32>
    %reduce_min3A_61 = vector.multi_reduction <minimumf>, %select_n3A_59, %reduce_min3A_60 [1] : vector<512x6912xf32> to vector<512xf32>
    %broadcast_in_dim3A_62 = vector.shape_cast %reduce_min3A_61 : vector<512xf32> to vector<512x1xf32>
    %eq3A_63 = vector.broadcast %broadcast_in_dim3A_62 : vector<512x1xf32> to vector<512x6912xf32>
    %eq3A_64 = arith.cmpf oeq, %select_n3A_59, %eq3A_63 : vector<512x6912xf32>
    %jit3A_65 = arith.constant 1.07374182E+9 : f32
    %broadcast_in_dim3A_66 = vector.shape_cast %convert_element_type3A_25 : vector<1x6912xf32> to vector<1x6912xf32>
    %broadcast_in_dim3A_67 = vector.broadcast %broadcast_in_dim3A_66 : vector<1x6912xf32> to vector<512x6912xf32>
    %broadcast_in_dim3A_68 = vector.broadcast %jit3A_65 : f32 to vector<512x6912xf32>
    %select_n3A_69 = arith.select %eq3A_64, %broadcast_in_dim3A_67, %broadcast_in_dim3A_68 : vector<512x6912xi1>, vector<512x6912xf32>
    %reduce_min3A_70 = arith.constant dense<0x7F800000> : vector<512xf32>
    %reduce_min3A_71 = vector.multi_reduction <minimumf>, %select_n3A_69, %reduce_min3A_70 [1] : vector<512x6912xf32> to vector<512xf32>
    %broadcast_in_dim3A_72 = vector.shape_cast %reduce_min3A_71 : vector<512xf32> to vector<512x1xf32>
    %max3A = arith.constant 9.99999996E-13 : f32
    %max3A_73 = vector.broadcast %max3A : f32 to vector<512x1xf32>
    %max3A_74 = arith.maximumf %broadcast_in_dim3A, %max3A_73 : vector<512x1xf32>
    %sqrt3A = math.sqrt %max3A_74 : vector<512x1xf32>
    %max3A_75 = arith.constant 9.99999996E-13 : f32
    %max3A_76 = vector.broadcast %max3A_75 : f32 to vector<512x1xf32>
    %max3A_77 = arith.maximumf %broadcast_in_dim3A_43, %max3A_76 : vector<512x1xf32>
    %sqrt3A_78 = math.sqrt %max3A_77 : vector<512x1xf32>
    %max3A_79 = arith.constant 9.99999996E-13 : f32
    %max3A_80 = vector.broadcast %max3A_79 : f32 to vector<512x1xf32>
    %max3A_81 = arith.maximumf %broadcast_in_dim3A_62, %max3A_80 : vector<512x1xf32>
    %sqrt3A_82 = math.sqrt %max3A_81 : vector<512x1xf32>
    %add3A_83 = arith.addf %sqrt3A, %sqrt3A_82 : vector<512x1xf32>
    %add3A_84 = arith.addf %add3A_83, %sqrt3A_78 : vector<512x1xf32>
    %div3A = arith.divf %sqrt3A, %add3A_84 : vector<512x1xf32>
    %sub3A_85 = arith.subf %add3A_84, %div3A : vector<512x1xf32>
    %div3A_86 = arith.divf %sqrt3A_78, %add3A_84 : vector<512x1xf32>
    %sub3A_87 = arith.subf %add3A_84, %div3A_86 : vector<512x1xf32>
    %div3A_88 = arith.divf %sqrt3A_82, %add3A_84 : vector<512x1xf32>
    %sub3A_89 = arith.subf %add3A_84, %div3A_88 : vector<512x1xf32>
    %add3A_90 = arith.addf %sub3A_85, %sub3A_89 : vector<512x1xf32>
    %add3A_91 = arith.addf %add3A_90, %sub3A_87 : vector<512x1xf32>
    %concatenate3A = tpu.concatenate %broadcast_in_dim3A_34, %broadcast_in_dim3A_53, %broadcast_in_dim3A_72 in 1 : vector<512x1xf32>, vector<512x1xf32>, vector<512x1xf32> -> vector<512x3xf32>
    %convert_element_type3A_92 = arith.fptosi %concatenate3A : vector<512x3xf32> to vector<512x3xi32>
    %swap3A = arith.constant 0 : index
    %swap3A_93 = arith.constant 0 : index
    %swap3A_94 = vector.load %arg3[%swap3A, %swap3A_93] : memref<512x3xi32, #tpu.memory_space<vmem>>, vector<512x3xi32>
    tpu.vector_store %arg3[%swap3A, %swap3A_93], %convert_element_type3A_92 {strides = array<i32>} : memref<512x3xi32, #tpu.memory_space<vmem>>, vector<512x3xi32>,
    %div3A_95 = arith.divf %sub3A_85, %add3A_91 : vector<512x1xf32>
    %div3A_96 = arith.divf %sub3A_87, %add3A_91 : vector<512x1xf32>
    %div3A_97 = arith.divf %sub3A_89, %add3A_91 : vector<512x1xf32>
    %concatenate3A_98 = tpu.concatenate %div3A_95, %div3A_96, %div3A_97 in 1 : vector<512x1xf32>, vector<512x1xf32>, vector<512x1xf32> -> vector<512x3xf32>
    %swap3A_99 = arith.constant 0 : index
    %swap3A_100 = arith.constant 0 : index
    %swap3A_101 = vector.load %arg4[%swap3A_99, %swap3A_100] : memref<512x3xf32, #tpu.memory_space<vmem>>, vector<512x3xf32>
    tpu.vector_store %arg4[%swap3A_99, %swap3A_100], %concatenate3A_98 {strides = array<i32>} : memref<512x3xf32, #tpu.memory_space<vmem>>, vector<512x3xf32>,
    return
  }
  func.func @transform_0(%arg0: i32) -> (i32, i32) {
    %c0_i32 = arith.constant 0 : i32
    %c0_i32_0 = arith.constant 0 : i32
    return %arg0, %c0_i32 : i32, i32
  }
  func.func @transform_1(%arg0: i32) -> (i32, i32) {
    %c0_i32 = arith.constant 0 : i32
    %c0_i32_0 = arith.constant 0 : i32
    %c0_i32_1 = arith.constant 0 : i32
    return %c0_i32, %c0_i32_0 : i32, i32
  }
  func.func @transform_2(%arg0: i32) -> (i32, i32) {
    %c0_i32 = arith.constant 0 : i32
    %c0_i32_0 = arith.constant 0 : i32
    return %arg0, %c0_i32 : i32, i32
  }
  func.func @transform_3(%arg0: i32) -> (i32, i32) {
    %c0_i32 = arith.constant 0 : i32
    %c0_i32_0 = arith.constant 0 : i32
    return %arg0, %c0_i32 : i32, i32
  }
}

</mosaic_0001>

<sc_bundles>
// kernel: _run.4.cloned.1.call-start
scs
__scs_entry_jumppad:
0x0: {  	(pc) =	sbr.rel $0x88, $3  }
0x1: {  	(tag) =	ssettag $0x0;
	lr =	simm.s32 $0x1  }
0x2: {  	[smem:$0x3F9E] =	sst lr;
	_ =	strace $0xD0000000  }
0x3: {  	_ = 	snop  }
0x4: {  	_ = 	snop  }
0x5: {  	_ = 	snop  }
0x6: {  	_ = 	snop  }
0x7: {  	_ = 	snop  }
__scs_overlays_trampoline_lowered:
0x8: {  	[smem:$0x3FAD] =	sst s0  }
0x9: {  	[smem:$0x3FAE] =	sst s1  }
0xa: {  	[smem:$0x3FAF] =	sst s2  }
0xb: {  	[smem:$0x3FB0] =	sst s3  }
0xc: {  	[smem:$0x3FB1] =	sst s4  }
0xd: {  	[smem:$0x3FB2] =	sst s5  }
0xe: {  	[smem:$0x3FB3] =	sst s6  }
0xf: {  	[smem:$0x3FB4] =	sst s7  }
0x10: {  	[smem:$0x3FB5] =	sst s8  }
0x11: {  	[smem:$0x3FB6] =	sst s9;
	s0 =	simm.s32 @!p0 $0x0  }
0x12: {  	s1 =	sld [smem:$0x3F9C];
	s0 =	simm.s32 @p0 $0x1  }
0x13: {  	[smem:$0x3FB7] =	sst s0;
	s0 =	simm.s32 @!p1 $0x0  }
0x14: {  	s2 =	sld [smem:$0x3F9B];
	s0 =	simm.s32 @p1 $0x1  }
0x15: {  	[smem:$0x3FB8] =	sst s0;
	s0 =	simm.s32 @!p2 $0x0  }
0x16: {  	s3 =	sld [smem:$0x3FDB];
	s0 =	simm.s32 @p2 $0x1  }
0x17: {  	s4 =	simm.s32 $0x1BF5;
	[smem:$0x3FBA] =	sst s0  }
0x18: {  	s0 =	sld [smem:$0x3F9D];
	_ =	swait.ge [sflag:s4], $0x0  }
0x19: {  	s7 =	sld [smem:$0x3F9E]  }
0x1a: {  	s8 =	sadd.s32 $0xFFFFE003, lr  }
0x1b: {  	s9 =	sadd.s32 $0xFFFFFEF7, lr;
	s5 =	simm.s32 $0xFFFFFFFF;
	p2 =	slt.u32 s8, $0xFFFFF086  }
0x1c: {  	p1 =	slt.u32 s9, $0xF7A;
	s5 =	simm.s32 @!p2 $0x0  }
0x1d: {  	s5 =	simm.s32 @p1 $0x1;
	p0 =	seq.s32 s7, s2  }
0x1e: {  	s7 =	smul.u32 @!p0 $0xF7A, s2;
	p2 =	seq.s32 @!p0 s5, $0x0  }
0x1f: {  	s9 =	smul.u32 $0xF7A, s1;
	s8 =	simm.s32 @!p0 $0x1BF5;
	p2 =	por !p2, p0  }
0x20: {  	[sflag:s8] =	ssyncset.s32 @!p0 $0xFFFFF086;
	s6 =	sadd.s32 @!p0 s3, s7;
	s7 =	simm.s32 @!p0 $0x108  }
0x21: {  	s3 =	sadd.s32 s3, s9;
	s6 =	sadd.s32 @!p0 $0x88, s6;
	s7 =	simm.s32 @p2 $0x1082  }
0x22: {  	[simem:s7], [sflag:s8] =	dma.local @!p0 [hbm:s6], $0xF7A  }
0x23: {  	s9 =	sor.u32 $0xD0000000, s2;
	s6 =	simm.s32 $0x108;
	_ =	swait.ge @!p0 [sflag:s8], $0x0  }
0x24: {  	s3 =	sadd.s32 $0x88, s3;
	s6 =	simm.s32 @!p1 $0x1082;
	[sflag:s4] =	ssyncset.s32 $0xFFFFF086  }
0x25: {  	[simem:s6], [sflag:s4] =	dma.local [hbm:s3], $0xF7A  }
0x26: {  	[smem:$0x3F9E] =	sst s1;
	(tag) =	ssettag s2;
	_ =	strace s9  }
0x27: {  	s1 =	sld [smem:$0x3FAE]  }
0x28: {  	s2 =	sld [smem:$0x3FAF]  }
0x29: {  	s4 =	sld [smem:$0x3FB1]  }
0x2a: {  	p0 =	seq.s32 s5, $0x0;
	s5 =	sld [smem:$0x3FB2]  }
0x2b: {  	s6 =	sld [smem:$0x3FB3]  }
0x2c: {  	s7 =	sld [smem:$0x3FB4]  }
0x2d: {  	s3 =	simm.s32 $0x108;
	s8 =	sld [smem:$0x3FB5]  }
0x2e: {  	s3 =	simm.s32 @!p0 $0x1082;
	s9 =	sld [smem:$0x3FB6]  }
0x2f: {  	lr =	sadd.s32 s0, s3;
	s0 =	sld [smem:$0x3FAD]  }
0x30: {  	s3 =	sld [smem:$0x3FB0]  }
0x31: {  	[smem:$0x3FB9] =	sst s10  }
0x32: {  	s10 =	sld [smem:$0x3FB7];
	_ =	sdelay $0x3  }
0x33: {  	p0 =	seq.s32 s10, $0x1;
	s10 =	sld [smem:$0x3FB9];
	_ =	sdelay $0x3  }
0x34: {  	[smem:$0x3FB9] =	sst s10  }
0x35: {  	s10 =	sld [smem:$0x3FB8];
	_ =	sdelay $0x3  }
0x36: {  	p1 =	seq.s32 s10, $0x1;
	s10 =	sld [smem:$0x3FB9];
	_ =	sdelay $0x3  }
0x37: {  	[smem:$0x3FB9] =	sst s10  }
0x38: {  	s10 =	sld [smem:$0x3FBA]  }
0x39: {  	_ = 	snop;
	(pc) =	sbr.ind lr, $3  }
0x3a: {  	_ = 	snop  }
0x3b: {  	_ = 	snop  }
0x3c: {  	p2 =	seq.s32 s10, $0x1;
	s10 =	sld [smem:$0x3FB9]  }
0x3d: {  	_ =	shalt  }
0x3e: {  	_ =	shalt  }
0x3f: {  	_ =	shalt  }
0x40: {  	_ =	shalt  }
0x41: {  	_ =	shalt  }
0x42: {  	_ =	shalt  }
0x43: {  	_ =	shalt  }
0x44: {  	_ =	shalt  }
0x45: {  	_ =	shalt  }
0x46: {  	_ =	shalt  }
0x47: {  	_ =	shalt  }
0x48: {  	_ =	shalt  }
0x49: {  	_ =	shalt  }
0x4a: {  	_ =	shalt  }
0x4b: {  	_ =	shalt  }
0x4c: {  	_ =	shalt  }
0x4d: {  	_ =	shalt  }
0x4e: {  	_ =	shalt  }
0x4f: {  	_ =	shalt  }
0x50: {  	_ =	shalt  }
0x51: {  	_ =	shalt  }
0x52: {  	_ =	shalt  }
0x53: {  	_ =	shalt  }
0x54: {  	_ =	shalt  }
0x55: {  	_ =	shalt  }
0x56: {  	_ =	shalt  }
0x57: {  	_ =	shalt  }
0x58: {  	_ =	shalt  }
0x59: {  	_ =	shalt  }
0x5a: {  	_ =	shalt  }
0x5b: {  	_ =	shalt  }
0x5c: {  	_ =	shalt  }
0x5d: {  	_ =	shalt  }
0x5e: {  	_ =	shalt  }
0x5f: {  	_ =	shalt  }
0x60: {  	_ =	shalt  }
0x61: {  	_ =	shalt  }
0x62: {  	_ =	shalt  }
0x63: {  	_ =	shalt  }
0x64: {  	_ =	shalt  }
0x65: {  	_ =	shalt  }
0x66: {  	_ =	shalt  }
0x67: {  	_ =	shalt  }
0x68: {  	_ =	shalt  }
0x69: {  	_ =	shalt  }
0x6a: {  	_ =	shalt  }
0x6b: {  	_ =	shalt  }
0x6c: {  	_ =	shalt  }
0x6d: {  	_ =	shalt  }
0x6e: {  	_ =	shalt  }
0x6f: {  	_ =	shalt  }
0x70: {  	_ =	shalt  }
0x71: {  	_ =	shalt  }
0x72: {  	_ =	shalt  }
0x73: {  	_ =	shalt  }
0x74: {  	_ =	shalt  }
0x75: {  	_ =	shalt  }
0x76: {  	_ =	shalt  }
0x77: {  	_ =	shalt  }
0x78: {  	_ =	shalt  }
0x79: {  	_ =	shalt  }
0x7a: {  	_ =	shalt  }
0x7b: {  	_ =	shalt  }
0x7c: {  	_ =	shalt  }
0x7d: {  	_ =	shalt  }
0x7e: {  	_ =	shalt  }
0x7f: {  	_ =	shalt  }
0x80: {  	_ =	shalt  }
0x81: {  	_ =	shalt  }
0x82: {  	_ =	shalt  }
0x83: {  	_ =	shalt  }
0x84: {  	_ =	shalt  }
0x85: {  	_ =	shalt  }
0x86: {  	_ =	shalt  }
0x87: {  	_ =	shalt  }
.Lfunc_end0:
.L_simem_size_0:
called_computation_lowered:
.L_overlay_start_0:
0x88: {  	s2 =	sld [smem:$0x3FD9]  }
0x89: {  	s3 =	sld [smem:$0x3FFE];
	_ =	sdelay $0x1  }
0x8a: {  	s1 =	srdreg.scid  }
0x8b: {  	s0 =	sand.u32 $0x1, s1  }
0x8c: {  	s17 =	sshll.u32 s0, $0xA;
	s2 =	sadd.s32 s3, s2  }
0x8d: {  	s2 =	sadd.s32 s2, s17  }
0x8e: {  	[smem:$0x3FC5] =	sst s2  }
0x8f: {  	_ = 	snop  }
0x90: {  	s2 =	sld [smem:$0x3FD0];
	(tm) =	ssettm $0x1  }
0x91: {  	s18 =	sld [smem:$0x3FFB];
	_ =	sdelay $0x3  }
0x92: {  	_ =	strace s18  }
0x93: {  	s3 =	sld [smem:$0x3FFC];
	_ =	sdelay $0x3  }
0x94: {  	_ =	strace s3  }
0x95: {  	s3 =	sld [smem:$0x3FFD];
	_ =	sdelay $0x3  }
0x96: {  	_ =	strace s3  }
0x97: {  	_ =	strace $0x8FFFFFFF  }
0x98: {  	s19 =	sld [smem:$0x3FDB];
	_ =	sdelay $0x1  }
0x99: {  	s4 =	simm.s32 $_scs_section_size  }
0x9a: {  	s5 =	simm.s32 $_size__tile_overlayer_lowered;
	s6 =	simm.s32 $_tile_overlayer_lowered  }
0x9b: {  	s22 =	simm.s32 $0x1BFF;
	s21 =	sshll.u32 s6, $0x1;
	s3 =	sadd.s32 s4, s19  }
0x9c: {  	s7 =	simm.s32 $0x0;
	s20 =	sshll.u32 s5, $0x1;
	s5 =	sadd.s32 s21, s3  }
0x9d: {  	[timem:s7], [sflag:s22] =	dma.local [hbm:s5], s20  }
0x9e: {  	_ =	swait.ge [sflag:s22], s20  }
0x9f: {  	s4 =	ssub.s32 $0x0, s20;
	[sflag:s22] =	ssyncset.done $0x0  }
0xa0: {  	[sflag:s22] =	ssyncadd.s32 s4;
	_ =	sdelay $0x1  }
0xa1: {  	s23 =	simm.s32 $0x1B8B  }
0xa2: {  	_ =	swait.ge [sflag:s23], $0x1  }
0xa3: {  	[sflag:s23] =	ssyncset.done $0x0  }
0xa4: {  	s25 =	simm.s32 $0x1B8E;
	s24 =	sld [smem:$0x3FFE];
	[sflag:s23] =	ssyncadd.s32 $0xFFFFFFFF  }
0xa5: {  	s26 =	simm.s32 $execute0_lowered;
	[smem:$0x3FD2] =	sst s25  }
0xa6: {  	s5 =	sshll.u32 s26, $0x1;
	_ =	strace $0x80000046;
	[dreg:$0x1] =	wrdreg $0xFFFFFFFF  }
0xa7: {  	s28 =	simm.s32 $_size_execute0_lowered;
	s3 =	sadd.s32 s3, s5;
	[dreg:$0x0] =	wrdreg $0x0  }
0xa8: {  	s5 =	sshll.u32 s28, $0x1;
	[dreg:$0x2] =	wrdreg s3  }
0xa9: {  	[dreg:$0x3] =	wrdreg s5  }
0xaa: {  	[dreg:$0x4] =	wrdreg $0xC0  }
0xab: {  	_ =	task [dreg:s7], $0x5FFFF  }
0xac: {  	[dreg:$0x1] =	wrdreg $0xFFFFFFFF  }
0xad: {  	[dreg:$0x0] =	wrdreg $0x60  }
0xae: {  	[dreg:$0x2] =	wrdreg s24  }
0xaf: {  	[dreg:$0x3] =	wrdreg s2  }
0xb0: {  	[dreg:$0x4] =	wrdreg $0x9  }
0xb1: {  	_ =	task.clear_ibuf [dreg:s7], $0x5FFFF;
	_ =	strace $0x90000046  }
0xb2: {  	s29 =	simm.s32 $0x9;
	_ =	strace $0x80000048  }
0xb3: {  	_ =	swait.ge [sflag:s29], $0x1  }
0xb4: {  	[sflag:s29] =	ssyncadd.s32 $0xFFFFFFFF  }
0xb5: {  	_ =	strace $0x90000048  }
0xb6: {  	_ =	sfence  }
0xb7: {  	s30 =	sld [smem:$0x0];
	_ =	sdelay $0x2  }
0xb8: {  	s31 =	sshll.u32 s1, $0xD;
	s1 =	sshrl.u32 s1, $0x2  }
0xb9: {  	s3 =	sand.u32 $0x4000, s31;
	s1 =	sadd.s32 s1, s30  }
0xba: {  	s0 =	sor.u32 s3, s0;
	s1 =	sshll.u32 s1, $0x11  }
0xbb: {  	s0 =	sor.u32 s1, s0  }
0xbc: {  	s0 =	sadd.s32 $0x8F2B, s0  }
0xbd: {  	[sflag:s0] =	ssyncadd.remote.s32 $0x1  }
0xbe: {  	_ =	sfence.sel $0xFFFF  }
0xbf: {  	[dreg:$0x0] =	wrdreg $0xFFFFFFFF;
	(pc) =	sbr.abs _section_cstart, $3  }
0xc0: {  	[dreg:$0x1] =	wrdreg $0xFFFFFFFF  }
0xc1: {  	_ =	task.clear_ibuf [dreg:s7], $0x2FFFF;
	_ =	strace $0x9FFFFFFF  }
0xc2: {  	(tm) =	ssettm $0x7FFFFFFF  }
0xc3: {  	_ =	shalt  }
tec
execute0_lowered:
.L_overlay_start_1:
0x0: {  	(tag) =	ssettag $0x1  }
0x1: {  	s1 =	srdreg.scid;
	s4 =	rddreg [dreg:$0x0]  }
0x2: {  	s0 =	stileid.u32;
	s2 =	rddreg [dreg:$0x1]  }
0x3: {  	s3 =	simm.s32 $0x0;
	s9 =	simm.s32 $0x1620;
	s10 =	simm.s32 $0x1  }
0x4: {  	s11 =	simm.s32 $0x17820;
	s5 =	sand.u32 $0x1, s1;
	s31 =	sshll.u32 s0, $0x1  }
0x5: {  	s12 =	simm.s32 $0x2;
	s13 =	simm.s32 $0x0;
	s6 =	sor.u32 s5, s31  }
0x6: {  	s1 =	rddreg [dreg:$0x2];
	s5 =	ssub.s32 $0x2, s5;
	s7 =	smul.u32 $0x162, s6  }
0x7: {  	[smem:$0x7FF] =	sst s3;
	s6 =	smul.u32 $0xEC0, s6;
	s8 =	sshrl.u32 s5, $0x1  }
0x8: {  	_ =	strace $0x80000047;
	s8 =	ssub.s32 s5, s8;
	s7 =	sadd.s32 s7, s4  }
0x9: {  	v0 =	vlaneseq.u32;
	s6 =	sadd.s32 s6, s4;
	s4 =	sadd.s32 $0x3400, s7;
	s5 =	sadd.s32 $0x600, s7  }
0xa: {  	v1 =	vor.u32 $0x10, v0;
	s6 =	sadd.s32 $0x6200, s6;
	s7 =	smax.u32 s8, $0x1;
	s8 =	simm.s32 $0xB10  }
.LBB2_1:
0xb: {  	[tilespmem:s3], [sflag:$0x2] =	stream.linear.gather [hbm4b:s4+s3], $0xB10, $0x38;
	[tilespmem:$0x1EE20] =	vst v63  }
0xc: {  	_ =	swait.ge [sflag:s12], $0xB10  }
0xd: {  	[sflag:s12] =	ssyncset.done $0x0  }
0xe: {  	[sflag:s12] =	ssyncadd.s32 $0xFFFFF4F0  }
0xf: {  	[tilespmem:s8], [sflag:$0x2] =	stream.linear.gather [hbm4b:s5+s3], $0xB10, $0x38;
	[tilespmem:$0x1EE20] =	vst v63  }
0x10: {  	v2 =	vmov s12;
	_ =	swait.ge [sflag:s12], $0xB10  }
0x11: {  	v3 =	vshll.u32 v2, $0x5;
	[sflag:s12] =	ssyncset.done $0x0  }
0x12: {  	s14 =	simm.s32 $0x0;
	s30 =	simm.s32 $0x1;
	v4 =	vor.u32 v0, v3;
	[sflag:s12] =	ssyncadd.s32 $0xFFFFF4F0  }
0x13: {  	v5 =	vmov s14;
	[tilespmem:s9], [sflag:$0x1] =	stream.indirect.gather [hbm4b:s2+s8], $0x20, s3, s8, $0xb8;
	[tilespmem:$0x1EE20] =	vst v63  }
0x14: {  	v6 =	vmov s30;
	v7 =	vshll.u32 v5, $0x5;
	_ =	swait.ge [sflag:s10], $0x16200  }
0x15: {  	v9 =	vshll.u32 v6, $0x5;
	v8 =	vor.u32 v0, v7;
	[sflag:s10] =	ssyncset.done $0x0  }
0x16: {  	v10 =	vor.u32 v0, v9;
	[sflag:s10] =	ssyncadd.s32 $0xFFFE9E00  }
0x17: {  	v4 =	vld.idx.msk [tilespmem:v4+s9+$0x0], $0xffff  }
0x18: {  	v2 =	vld.idx.msk [tilespmem:v2+s8+$0x0], $0xffff  }
0x19: {  	v5 =	vld.idx.msk [tilespmem:v5+s8+$0x0], $0xffff  }
0x1a: {  	v8 =	vld.idx.msk [tilespmem:v8+s9+$0x0], $0xffff  }
0x1b: {  	v10 =	vld.idx.msk [tilespmem:v10+s9+$0x0], $0xffff  }
0x1c: {  	v6 =	vld.idx.msk [tilespmem:v6+s8+$0x0], $0xffff;
	_ =	sdelay $0x2  }
0x1d: {  	v4 =	vmul.f32 v4, v2;
	v8 =	vmul.f32 v8, v5;
	_ =	sdelay $0x1  }
0x1e: {  	v7 =	vor.u32 v1, v7;
	v4 =	vadd.f32 v4, v8;
	v8 =	vmul.f32 v10, v6  }
0x1f: {  	v3 =	vor.u32 v1, v3  }
0x20: {  	v4 =	vadd.f32 v4, v8  }
0x21: {  	s14 =	simm.s32 $0x17830;
	v8 =	vor.u32 v1, v9  }
0x22: {  	[tilespmem:s14+$0xFFFFFFF0] =	vst v4  }
0x23: {  	v4 =	vld.idx.msk [tilespmem:v7+s9+$0x0], $0xffff  }
0x24: {  	v3 =	vld.idx.msk [tilespmem:v3+s9+$0x0], $0xffff;
	_ =	sdelay $0x1  }
0x25: {  	v7 =	vld.idx.msk [tilespmem:v8+s9+$0x0], $0xffff;
	_ =	sdelay $0x2  }
0x26: {  	s15 =	simm.s32 $0x5;
	v5 =	vmul.f32 v4, v5;
	v3 =	vmul.f32 v3, v2  }
0x27: {  	v4 =	vmov s15  }
0x28: {  	s31 =	simm.s32 $0x3;
	v2 =	vshll.u32 v4, $0x5;
	v8 =	vmul.f32 v7, v6;
	v9 =	vadd.f32 v3, v5  }
0x29: {  	s16 =	simm.s32 $0x4;
	v7 =	vor.u32 v0, v2;
	v6 =	vmov s31  }
0x2a: {  	s15 =	simm.s32 $0x8;
	v5 =	vmov s16;
	s16 =	simm.s32 $0x17830;
	v3 =	vshll.u32 v6, $0x5;
	v8 =	vadd.f32 v9, v8  }
.LBB2_2:
0x2b: {  	p0 =	sne.s32 s15, $0xB0F  }
0x2c: {  	v9 =	vor.u32 v0, v3;
	v10 =	vshll.u32 v5, $0x5;
	s14 =	sadd.s32 $0x20, s14;
	s17 =	smov.u32 s15;
	s15 =	sadd.s32 $0x3, s15  }
0x2d: {  	v11 =	vor.u32 v0, v10;
	[tilespmem:s16+$0x0] =	vst v8;
	s16 =	smov.u32 s14  }
0x2e: {  	v7 =	vld.idx.msk [tilespmem:v7+s9+$0x0], $0xffff  }
0x2f: {  	v8 =	vld.idx.msk [tilespmem:v4+s8+$0x0], $0xffff  }
0x30: {  	v4 =	vld.idx.msk [tilespmem:v6+s8+$0x0], $0xffff  }
0x31: {  	v6 =	vld.idx.msk [tilespmem:v9+s9+$0x0], $0xffff  }
0x32: {  	v9 =	vld.idx.msk [tilespmem:v11+s9+$0x0], $0xffff  }
0x33: {  	v5 =	vld.idx.msk [tilespmem:v5+s8+$0x0], $0xffff;
	_ =	sdelay $0x1  }
0x34: {  	v7 =	vmul.f32 v7, v8;
	_ =	sdelay $0x1  }
0x35: {  	v6 =	vmul.f32 v6, v4  }
0x36: {  	v2 =	vor.u32 v1, v2  }
0x37: {  	v3 =	vor.u32 v1, v3;
	v6 =	vadd.f32 v7, v6;
	v7 =	vmul.f32 v9, v5;
	_ =	sdelay $0x1  }
0x38: {  	v6 =	vadd.f32 v6, v7;
	v7 =	vor.u32 v1, v10;
	_ =	sdelay $0x1  }
0x39: {  	[tilespmem:s14+$0xFFFFFFF0] =	vst v6  }
0x3a: {  	v3 =	vld.idx.msk [tilespmem:v3+s9+$0x0], $0xffff  }
0x3b: {  	v2 =	vld.idx.msk [tilespmem:v2+s9+$0x0], $0xffff  }
0x3c: {  	v6 =	vld.idx.msk [tilespmem:v7+s9+$0x0], $0xffff;
	_ =	sdelay $0x3  }
0x3d: {  	v3 =	vmul.f32 v3, v4  }
.Ltmp0:
0x3e: {  	v4 =	vmov s17;
	v8 =	vmul.f32 v2, v8;
	(pc) =	sbr.rel @p0 .LBB2_2-.Ltmp0, $4  }
0x3f: {  	v2 =	vshll.u32 v4, $0x5;
	v9 =	vmul.f32 v6, v5  }
0x40: {  	s18 =	sadd.s32 $0xFFFFFFFE, s17;
	v7 =	vor.u32 v0, v2;
	v8 =	vadd.f32 v8, v3  }
0x41: {  	s17 =	sadd.s32 $0xFFFFFFFF, s17;
	v6 =	vmov s18  }
0x42: {  	v5 =	vmov s17;
	v3 =	vshll.u32 v6, $0x5;
	v8 =	vadd.f32 v8, v9  }
0x43: {  	_ =	sdelay $0x1  }
0x44: {  	v9 =	vor.u32 v0, v3  }
0x45: {  	v10 =	vshll.u32 v5, $0x5;
	[tilespmem:s16+$0x0] =	vst v8  }
0x46: {  	v11 =	vor.u32 v0, v10;
	v7 =	vld.idx.msk [tilespmem:v7+s9+$0x0], $0xffff  }
0x47: {  	v4 =	vld.idx.msk [tilespmem:v4+s8+$0x0], $0xffff  }
0x48: {  	v6 =	vld.idx.msk [tilespmem:v6+s8+$0x0], $0xffff  }
0x49: {  	v8 =	vld.idx.msk [tilespmem:v9+s9+$0x0], $0xffff  }
0x4a: {  	v60 =	vld.idx.msk [tilespmem:v5+s8+$0x0], $0xffff  }
0x4b: {  	v59 =	vld.idx.msk [tilespmem:v11+s9+$0x0], $0xffff;
	_ =	sdelay $0x2  }
0x4c: {  	v7 =	vmul.f32 v7, v4;
	v8 =	vmul.f32 v8, v6;
	_ =	sdelay $0x1  }
0x4d: {  	v3 =	vor.u32 v1, v3;
	v61 =	vmul.f32 v59, v60;
	v7 =	vadd.f32 v7, v8  }
0x4e: {  	v2 =	vor.u32 v1, v2  }
0x4f: {  	v7 =	vadd.f32 v7, v61  }
0x50: {  	s14 =	sadd.s32 $0x20, s14;
	v62 =	vor.u32 v1, v10  }
0x51: {  	[tilespmem:s14+$0xFFFFFFF0] =	vst v7  }
0x52: {  	v3 =	vld.idx.msk [tilespmem:v3+s9+$0x0], $0xffff  }
0x53: {  	v2 =	vld.idx.msk [tilespmem:v2+s9+$0x0], $0xffff;
	_ =	sdelay $0x1  }
0x54: {  	v7 =	vld.idx.msk [tilespmem:v62+s9+$0x0], $0xffff;
	_ =	sdelay $0x2  }
0x55: {  	v3 =	vmul.f32 v3, v6;
	v2 =	vmul.f32 v2, v4;
	_ =	sdelay $0x1  }
0x56: {  	v63 =	vmul.f32 v7, v60;
	v2 =	vadd.f32 v2, v3;
	_ =	sdelay $0x1  }
0x57: {  	s13 =	sadd.s32 $0x1, s13;
	v2 =	vadd.f32 v2, v63  }
0x58: {  	p0 =	sne.s32 s13, s7  }
.Ltmp1:
0x59: {  	[tilespmem:s14+$0x0] =	vst v2;
	(pc) =	sbr.rel @p0 .LBB2_1-.Ltmp1, $4  }
0x5a: {  	[hbm4b:s6+s3] =	stream.linear.scatter [tilespmem:s11], [sflag:$0x2], $0x7600, $0x38;
	[tilespmem:$0x1EE20] =	vst v63  }
0x5b: {  	_ =	swait.ge [sflag:s12], $0x7600  }
0x5c: {  	[sflag:s12] =	ssyncset.done $0x0  }
0x5d: {  	[sflag:s12] =	ssyncadd.s32 $0xFFFF8A00  }
0x5e: {  	_ =	sfence.sel $0x180000  }
0x5f: {  	[bflag:$0x0] =	sbarrier.arrive $0xFFFF  }
0x60: {  	p0 =	sne.s32 s0, $0x0;
	_ =	strace $0x90000047  }
0x61: {  	s0 =	sadd.s32 @!p0 $0x100000, s1;
	[bflag:$0x2] =	sbarrier.arrive $0xFFFF  }
0x62: {  	[sflag:s0] =	ssyncadd.tile.s32 @!p0 $0x1;
	_ =	shalt  }
.Lfunc_end2:
_tile_overlayer_lowered:
.L_overlay_start_2:
0x63: {  	(tag) =	ssettag $0x2  }
0x64: {  	s0 =	rddreg [dreg:$0x0];
	s2 =	stileid.u32  }
0x65: {  	s1 =	rddreg [dreg:$0x1];
	p0 =	sne.s32 s2, $0x0  }
0x66: {  	s3 =	rddreg [dreg:$0x2];
	[bflag:$0x3] =	sbarrier.arrive $0xFFFF;
	s2 =	simm.s32 @!p0 $0x1C02  }
0x67: {  	[timem:s3], [sflag:s2] =	dma.local @!p0 [hbm:s0], s1  }
0x68: {  	s0 =	simm.s32 @!p0 $0x2  }
0x69: {  	_ =	swait.ge @!p0 [sflag:s0], s1  }
0x6a: {  	s1 =	ssub.s32 @!p0 $0x0, s1;
	[sflag:s0] =	ssyncset.done @!p0 $0x0  }
0x6b: {  	[sflag:s0] =	ssyncadd.s32 @!p0 s1  }
0x6c: {  	[bflag:$0x3] =	sbarrier.arrive $0xFFFF  }
0x6d: {  	_ =	shalt  }

</sc_bundles>
